<compile_context>
chip_gen: v7x
topology: tpu7x:2x2x1
jax: 0.10.2.dev20260603
libtpu: 0.0.44.dev20260713+nightly
codegen_flags: <defaults>
</compile_context>

<pallas_src>
import functools

import jax
import jax.numpy as jnp
from jax import lax
from jax.experimental import pallas as pl
from jax.experimental.pallas import tpu as pltpu
from jax.experimental.pallas import tpu_sc as plsc

D_BRAIN = 1024
N_AGENTS = 8
TOK = 8192
BT = 512


def _fused_body(sub_ref, res_ref, w_ref, rw_ref, kt_ref, rb_ref, mb_ref,
                nw_ref, out_ref, sc_ref):
    x = sub_ref[...]
    xb = x.astype(jnp.bfloat16)
    q = jnp.dot(xb, rw_ref[...], preferred_element_type=jnp.float32)
    q = q + rb_ref[...]
    sc_ref[...] = jnp.dot(q.astype(jnp.bfloat16), kt_ref[...],
                          preferred_element_type=jnp.float32)

    acc = x + mb_ref[...]
    for a in range(N_AGENTS):
        xa = res_ref[a].astype(jnp.bfloat16)
        acc = acc + jnp.dot(xa, w_ref[a], preferred_element_type=jnp.float32)
    var = jnp.mean(acc * acc, axis=-1, keepdims=True)
    out_ref[...] = (acc * lax.rsqrt(var + 1e-6)) * nw_ref[...]


@functools.lru_cache(maxsize=1)
def _make_top3_sc_kernel():
    mesh = plsc.VectorSubcoreMesh(core_axis_name="c", subcore_axis_name="s")

    @functools.partial(
        pl.kernel,
        mesh=mesh,
        out_type=jax.ShapeDtypeStruct((16,), jnp.int32),
        scratch_types=[
            pltpu.VMEM((16,), jnp.float32),
            pltpu.VMEM((16,), jnp.int32),
        ],
        compiler_params=pltpu.CompilerParams(needs_layout_passes=False),
    )
    def _top3_sc_kernel(s_hbm, out_hbm, svec, ovec):
        pltpu.sync_copy(s_hbm, svec)
        idx = lax.iota(jnp.int32, 16)
        _, order = plsc.sort_key_val(svec[...], idx, descending=True)
        ovec[...] = order

        @pl.when(jnp.logical_and(lax.axis_index("c") == 0,
                                 lax.axis_index("s") == 0))
        def _():
            pltpu.sync_copy(ovec, out_hbm)

    return _top3_sc_kernel


def kernel(subtask, results, agent_keys, router_w, router_b, merger_w,
           merger_b, norm_w):
    f32 = jnp.float32
    rw16 = router_w.astype(jnp.bfloat16)
    kt_pad = jnp.zeros((D_BRAIN, 128), jnp.bfloat16)
    kt_pad = kt_pad.at[:, :N_AGENTS].set(agent_keys.T.astype(jnp.bfloat16))
    rb = router_b.reshape(1, D_BRAIN)
    w3 = merger_w.astype(jnp.bfloat16).reshape(N_AGENTS, D_BRAIN, D_BRAIN)
    mb = merger_b.reshape(1, D_BRAIN)
    nw = norm_w.reshape(1, D_BRAIN)

    n_t = TOK // BT
    out, scores_pad = pl.pallas_call(
        _fused_body,
        grid=(n_t,),
        in_specs=[
            pl.BlockSpec((BT, D_BRAIN), lambda t: (t, 0)),
            pl.BlockSpec((N_AGENTS, BT, D_BRAIN), lambda t: (0, t, 0)),
            pl.BlockSpec((N_AGENTS, D_BRAIN, D_BRAIN), lambda t: (0, 0, 0)),
            pl.BlockSpec((D_BRAIN, D_BRAIN), lambda t: (0, 0)),
            pl.BlockSpec((D_BRAIN, 128), lambda t: (0, 0)),
            pl.BlockSpec((1, D_BRAIN), lambda t: (0, 0)),
            pl.BlockSpec((1, D_BRAIN), lambda t: (0, 0)),
            pl.BlockSpec((1, D_BRAIN), lambda t: (0, 0)),
        ],
        out_specs=[
            pl.BlockSpec((BT, D_BRAIN), lambda t: (t, 0)),
            pl.BlockSpec((BT, 128), lambda t: (t, 0)),
        ],
        out_shape=[
            jax.ShapeDtypeStruct((TOK, D_BRAIN), f32),
            jax.ShapeDtypeStruct((TOK, 128), f32),
        ],
        compiler_params=pltpu.CompilerParams(
            dimension_semantics=("parallel",),
            vmem_limit_bytes=100 * 1024 * 1024),
    )(subtask, results, w3, rw16, kt_pad, rb, mb, nw)
    scores = scores_pad[:, :N_AGENTS]

    svec_in = jnp.concatenate(
        [scores_pad[0, :N_AGENTS], jnp.full((8,), -jnp.inf, f32)])
    top3_16 = _make_top3_sc_kernel()(svec_in)
    top3 = top3_16[:3]
    return (out, scores, top3)

# --- scband reference (transcript-rebuilt; emitter-appended) ---
"""Pipeline reference for scband-agent-router-8581344657480 (READ-ONLY COPY).

The authoritative reference and input builder live on the scoring server;
editing this copy changes nothing except your own understanding.
"""

import jax, jax.numpy as jnp
import numpy as np

D_BRAIN = 1024
N_AGENTS = 8
TOK = 8192


def rmsnorm(x, w, eps=1e-6):
    var = jnp.mean(x * x, axis=-1, keepdims=True)
    return x * jax.lax.rsqrt(var + eps) * w


def setup_inputs(seed: int = 0) -> dict:
    key = jax.random.key(seed)
    ks = jax.random.split(key, 6)
    subtask = jax.random.normal(ks[0], (TOK, D_BRAIN), dtype=jnp.float32)
    results = jax.random.normal(ks[1], (N_AGENTS, TOK, D_BRAIN), dtype=jnp.float32)
    # learned parameters
    agent_keys = jax.random.normal(ks[2], (N_AGENTS, D_BRAIN), dtype=jnp.float32) * 0.02
    router_w = jax.random.normal(ks[3], (D_BRAIN, D_BRAIN), dtype=jnp.float32) * (1.0 / np.sqrt(D_BRAIN))
    router_b = jnp.zeros((D_BRAIN,), dtype=jnp.float32)
    merger_w = jax.random.normal(ks[4], (N_AGENTS * D_BRAIN, D_BRAIN), dtype=jnp.float32) * (1.0 / np.sqrt(N_AGENTS * D_BRAIN))
    merger_b = jnp.zeros((D_BRAIN,), dtype=jnp.float32)
    norm_w = jnp.ones((D_BRAIN,), dtype=jnp.float32)
    return {
        "subtask": subtask,
        "results": results,
        "agent_keys": agent_keys,
        "router_w": router_w,
        "router_b": router_b,
        "merger_w": merger_w,
        "merger_b": merger_b,
        "norm_w": norm_w,
    }


def reference(subtask, results, agent_keys, router_w, router_b, merger_w, merger_b, norm_w):
    # --- route ---
    q = subtask @ router_w + router_b                       # [TOK, D]
    # (q.unsqueeze(1) * keys.unsqueeze(0)).sum(-1) == q @ keys.T
    scores = q @ agent_keys.T                               # [TOK, N_AGENTS]
    top3 = jnp.argsort(-scores[0])[:3]                      # indices of top-3 agents for first token
    # --- merge --- (all N_AGENTS results provided, so no zero-padding needed)
    # torch.cat(results_list, dim=-1): [TOK, N_AGENTS * D]
    concat = jnp.transpose(results, (1, 0, 2)).reshape(results.shape[1], N_AGENTS * D_BRAIN)
    merged = concat @ merger_w + merger_b                   # [TOK, D]
    out = rmsnorm(subtask + merged, norm_w)                 # [TOK, D]
    return (out, scores, top3)

if __name__ == "__main__":
    import jax
    _d = setup_inputs()
    print(jax.jit(kernel)(*tuple(_d.values())))

</pallas_src>

<mosaic_0001>
#map = affine_map<(d0, d1) -> (0)>
module attributes {stable_mosaic.version = 14 : i64} {
  func.func @_top3_sc_kernel(%arg0: i32, %arg1: i32, %arg2: memref<16xf32, #tpu.memory_space<hbm>>, %arg3: memref<16xi32, #tpu.memory_space<hbm>>, %arg4: memref<16xf32, #tpu.memory_space<vmem>>, %arg5: memref<16xi32, #tpu.memory_space<vmem>>) attributes {dimension_semantics = [#tpu.dimension_semantics<core_parallel>, #tpu.dimension_semantics<subcore_parallel>], iteration_bounds = array<i64: 2, 16>, scalar_prefetch = 0 : i64, scratch_operands = 2 : i64, tpu.core_type = #tpu.core_type<sc_vector_subcore>, window_params = [{transform_indices = #map}, {transform_indices = #map}]} {
    "tpu.region"() ({
      %run_scoped3A = tpu.sem_alloc : memref<!tpu.dma_semaphore, #tpu.memory_space<semaphore_mem>>
      tpu.enqueue_dma source(%arg2 : memref<16xf32, #tpu.memory_space<hbm>>) target(%arg4 : memref<16xf32, #tpu.memory_space<vmem>>) target_semaphore(%run_scoped3A : memref<!tpu.dma_semaphore, #tpu.memory_space<semaphore_mem>>)
      tpu.wait_dma2 semaphore(%run_scoped3A : memref<!tpu.dma_semaphore, #tpu.memory_space<semaphore_mem>>) src(%arg2 : memref<16xf32, #tpu.memory_space<hbm>>) dst(%arg4 : memref<16xf32, #tpu.memory_space<vmem>>)
      tpu.yield
    }) : () -> ()
    %iota3A = tpu.iota {dimensions = array<i32: 0>} : vector<16xi32>
    %get3A = arith.constant 0 : index
    %get3A_0 = tpu.vector_load %arg4[%get3A] {strides = array<i32>} : memref<16xf32, #tpu.memory_space<vmem>>, vector<16xf32>,
    %masked_sort3A = arith.constant dense<true> : vector<16xi1>
    %masked_sort3A_1, %masked_sort3A_2, %masked_sort3A_3 = tpu.sort %get3A_0, %iota3A masked %masked_sort3A {descending = true} : (vector<16xf32>, vector<16xi32>, vector<16xi1>) -> (vector<16xi1>, vector<16xf32>, vector<16xi32>)
    %swap3A = arith.constant 0 : index
    %swap3A_4 = tpu.vector_load %arg5[%swap3A] {strides = array<i32>} : memref<16xi32, #tpu.memory_space<vmem>>, vector<16xi32>,
    tpu.vector_store %arg5[%swap3A], %masked_sort3A_3 {strides = array<i32>} : memref<16xi32, #tpu.memory_space<vmem>>, vector<16xi32>,
    %eq3A = arith.constant 0 : i32
    %eq3A_5 = arith.cmpi eq, %arg0, %eq3A : i32
    %eq3A_6 = arith.constant 0 : i32
    %eq3A_7 = arith.cmpi eq, %arg1, %eq3A_6 : i32
    %and3A = arith.andi %eq3A_5, %eq3A_7 : i1
    %convert_element_type3A = arith.extui %and3A : i1 to i32
    %cond3A = arith.constant 0 : i32
    %cond3A_8 = arith.cmpi ne, %convert_element_type3A, %cond3A : i32
    scf.if %cond3A_8 {
      "tpu.region"() ({
        %run_scoped3A = tpu.sem_alloc : memref<!tpu.dma_semaphore, #tpu.memory_space<semaphore_mem>>
        tpu.enqueue_dma source(%arg5 : memref<16xi32, #tpu.memory_space<vmem>>) target(%arg3 : memref<16xi32, #tpu.memory_space<hbm>>) target_semaphore(%run_scoped3A : memref<!tpu.dma_semaphore, #tpu.memory_space<semaphore_mem>>)
        tpu.wait_dma2 semaphore(%run_scoped3A : memref<!tpu.dma_semaphore, #tpu.memory_space<semaphore_mem>>) src(%arg5 : memref<16xi32, #tpu.memory_space<vmem>>) dst(%arg3 : memref<16xi32, #tpu.memory_space<hbm>>)
        tpu.yield
      }) : () -> ()
    } else {
    }
    return
  }
}

module attributes {stable_mosaic.version = 14 : i64} {
  func.func @_fused_body(%arg0: i32, %arg1: memref<512x1024xf32, #tpu.memory_space<vmem>>, %arg2: memref<8x512x1024xf32, #tpu.memory_space<vmem>>, %arg3: memref<8x1024x1024xbf16, #tpu.memory_space<vmem>>, %arg4: memref<1024x1024xbf16, #tpu.memory_space<vmem>>, %arg5: memref<1024x128xbf16, #tpu.memory_space<vmem>>, %arg6: memref<1x1024xf32, #tpu.memory_space<vmem>>, %arg7: memref<1x1024xf32, #tpu.memory_space<vmem>>, %arg8: memref<1x1024xf32, #tpu.memory_space<vmem>>, %arg9: memref<512x1024xf32, #tpu.memory_space<vmem>>, %arg10: memref<512x128xf32, #tpu.memory_space<vmem>>) attributes {dimension_semantics = [#tpu.dimension_semantics<parallel>], iteration_bounds = array<i64: 16>, scalar_prefetch = 0 : i64, scratch_operands = 0 : i64, tpu.core_type = #tpu.core_type<tc>, window_params = [{transform_indices = @transform_0, window_bounds = array<i64: 512, 1024>}, {transform_indices = @transform_1, window_bounds = array<i64: 8, 512, 1024>}, {pipeline_mode = #tpu.pipeline_mode<synchronous>, transform_indices = @transform_2, window_bounds = array<i64: 8, 1024, 1024>}, {pipeline_mode = #tpu.pipeline_mode<synchronous>, transform_indices = @transform_3, window_bounds = array<i64: 1024, 1024>}, {pipeline_mode = #tpu.pipeline_mode<synchronous>, transform_indices = @transform_4, window_bounds = array<i64: 1024, 128>}, {pipeline_mode = #tpu.pipeline_mode<synchronous>, transform_indices = @transform_5, window_bounds = array<i64: 1, 1024>}, {pipeline_mode = #tpu.pipeline_mode<synchronous>, transform_indices = @transform_6, window_bounds = array<i64: 1, 1024>}, {pipeline_mode = #tpu.pipeline_mode<synchronous>, transform_indices = @transform_7, window_bounds = array<i64: 1, 1024>}, {transform_indices = @transform_8, window_bounds = array<i64: 512, 1024>}, {transform_indices = @transform_9, window_bounds = array<i64: 512, 128>}]} {
    %get3A = arith.constant 0 : index
    %get3A_0 = arith.constant 0 : index
    %get3A_1 = vector.load %arg1[%get3A, %get3A_0] : memref<512x1024xf32, #tpu.memory_space<vmem>>, vector<512x1024xf32>
    %convert_element_type3A = arith.truncf %get3A_1 : vector<512x1024xf32> to vector<512x1024xbf16>
    %get3A_2 = arith.constant 0 : index
    %get3A_3 = arith.constant 0 : index
    %get3A_4 = vector.load %arg4[%get3A_2, %get3A_3] : memref<1024x1024xbf16, #tpu.memory_space<vmem>>, vector<1024x1024xbf16>
    %dot_general3A = arith.constant dense<0.000000e+00> : vector<512x1024xf32>
    %dot_general3A_5 = tpu.matmul %convert_element_type3A, %get3A_4, %dot_general3A {dimension_numbers = #tpu.dot_dimension_numbers<[1], [0], [0], [1], [0, 0, 1, 1], [], []>, transpose_lhs_hint = false} : vector<512x1024xbf16>, vector<1024x1024xbf16>, vector<512x1024xf32> -> vector<512x1024xf32>
    %get3A_6 = arith.constant 0 : index
    %get3A_7 = arith.constant 0 : index
    %get3A_8 = vector.load %arg6[%get3A_6, %get3A_7] : memref<1x1024xf32, #tpu.memory_space<vmem>>, vector<1x1024xf32>
    %add3A = vector.broadcast %get3A_8 : vector<1x1024xf32> to vector<512x1024xf32>
    %add3A_9 = arith.addf %dot_general3A_5, %add3A : vector<512x1024xf32>
    %convert_element_type3A_10 = arith.truncf %add3A_9 : vector<512x1024xf32> to vector<512x1024xbf16>
    %get3A_11 = arith.constant 0 : index
    %get3A_12 = arith.constant 0 : index
    %get3A_13 = vector.load %arg5[%get3A_11, %get3A_12] : memref<1024x128xbf16, #tpu.memory_space<vmem>>, vector<1024x128xbf16>
    %dot_general3A_14 = arith.constant dense<0.000000e+00> : vector<512x128xf32>
    %dot_general3A_15 = tpu.matmul %convert_element_type3A_10, %get3A_13, %dot_general3A_14 {dimension_numbers = #tpu.dot_dimension_numbers<[1], [0], [0], [1], [0, 0, 1, 1], [], []>, transpose_lhs_hint = false} : vector<512x1024xbf16>, vector<1024x128xbf16>, vector<512x128xf32> -> vector<512x128xf32>
    %swap3A = arith.constant 0 : index
    %swap3A_16 = arith.constant 0 : index
    %swap3A_17 = vector.load %arg10[%swap3A, %swap3A_16] : memref<512x128xf32, #tpu.memory_space<vmem>>, vector<512x128xf32>
    tpu.vector_store %arg10[%swap3A, %swap3A_16], %dot_general3A_15 {strides = array<i32>} : memref<512x128xf32, #tpu.memory_space<vmem>>, vector<512x128xf32>,
    %get3A_18 = arith.constant 0 : index
    %get3A_19 = arith.constant 0 : index
    %get3A_20 = vector.load %arg7[%get3A_18, %get3A_19] : memref<1x1024xf32, #tpu.memory_space<vmem>>, vector<1x1024xf32>
    %add3A_21 = vector.broadcast %get3A_20 : vector<1x1024xf32> to vector<512x1024xf32>
    %add3A_22 = arith.addf %get3A_1, %add3A_21 : vector<512x1024xf32>
    %get3A_23 = arith.constant 0 : index
    %get3A_24 = arith.constant 0 : index
    %get3A_25 = arith.constant 0 : index
    %get3A_26 = vector.load %arg2[%get3A_23, %get3A_24, %get3A_25] : memref<8x512x1024xf32, #tpu.memory_space<vmem>>, vector<1x512x1024xf32>
    %get3A_27 = vector.shape_cast %get3A_26 : vector<1x512x1024xf32> to vector<512x1024xf32>
    %convert_element_type3A_28 = arith.truncf %get3A_27 : vector<512x1024xf32> to vector<512x1024xbf16>
    %get3A_29 = arith.constant 0 : index
    %get3A_30 = arith.constant 0 : index
    %get3A_31 = arith.constant 0 : index
    %get3A_32 = vector.load %arg3[%get3A_29, %get3A_30, %get3A_31] : memref<8x1024x1024xbf16, #tpu.memory_space<vmem>>, vector<1x1024x1024xbf16>
    %get3A_33 = vector.shape_cast %get3A_32 : vector<1x1024x1024xbf16> to vector<1024x1024xbf16>
    %dot_general3A_34 = arith.constant dense<0.000000e+00> : vector<512x1024xf32>
    %dot_general3A_35 = tpu.matmul %convert_element_type3A_28, %get3A_33, %dot_general3A_34 {dimension_numbers = #tpu.dot_dimension_numbers<[1], [0], [0], [1], [0, 0, 1, 1], [], []>, transpose_lhs_hint = false} : vector<512x1024xbf16>, vector<1024x1024xbf16>, vector<512x1024xf32> -> vector<512x1024xf32>
    %add3A_36 = arith.addf %add3A_22, %dot_general3A_35 : vector<512x1024xf32>
    %get3A_37 = arith.constant 1 : index
    %get3A_38 = arith.constant 0 : index
    %get3A_39 = arith.constant 0 : index
    %get3A_40 = vector.load %arg2[%get3A_37, %get3A_38, %get3A_39] : memref<8x512x1024xf32, #tpu.memory_space<vmem>>, vector<1x512x1024xf32>
    %get3A_41 = vector.shape_cast %get3A_40 : vector<1x512x1024xf32> to vector<512x1024xf32>
    %convert_element_type3A_42 = arith.truncf %get3A_41 : vector<512x1024xf32> to vector<512x1024xbf16>
    %get3A_43 = arith.constant 1 : index
    %get3A_44 = arith.constant 0 : index
    %get3A_45 = arith.constant 0 : index
    %get3A_46 = vector.load %arg3[%get3A_43, %get3A_44, %get3A_45] : memref<8x1024x1024xbf16, #tpu.memory_space<vmem>>, vector<1x1024x1024xbf16>
    %get3A_47 = vector.shape_cast %get3A_46 : vector<1x1024x1024xbf16> to vector<1024x1024xbf16>
    %dot_general3A_48 = arith.constant dense<0.000000e+00> : vector<512x1024xf32>
    %dot_general3A_49 = tpu.matmul %convert_element_type3A_42, %get3A_47, %dot_general3A_48 {dimension_numbers = #tpu.dot_dimension_numbers<[1], [0], [0], [1], [0, 0, 1, 1], [], []>, transpose_lhs_hint = false} : vector<512x1024xbf16>, vector<1024x1024xbf16>, vector<512x1024xf32> -> vector<512x1024xf32>
    %add3A_50 = arith.addf %add3A_36, %dot_general3A_49 : vector<512x1024xf32>
    %get3A_51 = arith.constant 2 : index
    %get3A_52 = arith.constant 0 : index
    %get3A_53 = arith.constant 0 : index
    %get3A_54 = vector.load %arg2[%get3A_51, %get3A_52, %get3A_53] : memref<8x512x1024xf32, #tpu.memory_space<vmem>>, vector<1x512x1024xf32>
    %get3A_55 = vector.shape_cast %get3A_54 : vector<1x512x1024xf32> to vector<512x1024xf32>
    %convert_element_type3A_56 = arith.truncf %get3A_55 : vector<512x1024xf32> to vector<512x1024xbf16>
    %get3A_57 = arith.constant 2 : index
    %get3A_58 = arith.constant 0 : index
    %get3A_59 = arith.constant 0 : index
    %get3A_60 = vector.load %arg3[%get3A_57, %get3A_58, %get3A_59] : memref<8x1024x1024xbf16, #tpu.memory_space<vmem>>, vector<1x1024x1024xbf16>
    %get3A_61 = vector.shape_cast %get3A_60 : vector<1x1024x1024xbf16> to vector<1024x1024xbf16>
    %dot_general3A_62 = arith.constant dense<0.000000e+00> : vector<512x1024xf32>
    %dot_general3A_63 = tpu.matmul %convert_element_type3A_56, %get3A_61, %dot_general3A_62 {dimension_numbers = #tpu.dot_dimension_numbers<[1], [0], [0], [1], [0, 0, 1, 1], [], []>, transpose_lhs_hint = false} : vector<512x1024xbf16>, vector<1024x1024xbf16>, vector<512x1024xf32> -> vector<512x1024xf32>
    %add3A_64 = arith.addf %add3A_50, %dot_general3A_63 : vector<512x1024xf32>
    %get3A_65 = arith.constant 3 : index
    %get3A_66 = arith.constant 0 : index
    %get3A_67 = arith.constant 0 : index
    %get3A_68 = vector.load %arg2[%get3A_65, %get3A_66, %get3A_67] : memref<8x512x1024xf32, #tpu.memory_space<vmem>>, vector<1x512x1024xf32>
    %get3A_69 = vector.shape_cast %get3A_68 : vector<1x512x1024xf32> to vector<512x1024xf32>
    %convert_element_type3A_70 = arith.truncf %get3A_69 : vector<512x1024xf32> to vector<512x1024xbf16>
    %get3A_71 = arith.constant 3 : index
    %get3A_72 = arith.constant 0 : index
    %get3A_73 = arith.constant 0 : index
    %get3A_74 = vector.load %arg3[%get3A_71, %get3A_72, %get3A_73] : memref<8x1024x1024xbf16, #tpu.memory_space<vmem>>, vector<1x1024x1024xbf16>
    %get3A_75 = vector.shape_cast %get3A_74 : vector<1x1024x1024xbf16> to vector<1024x1024xbf16>
    %dot_general3A_76 = arith.constant dense<0.000000e+00> : vector<512x1024xf32>
    %dot_general3A_77 = tpu.matmul %convert_element_type3A_70, %get3A_75, %dot_general3A_76 {dimension_numbers = #tpu.dot_dimension_numbers<[1], [0], [0], [1], [0, 0, 1, 1], [], []>, transpose_lhs_hint = false} : vector<512x1024xbf16>, vector<1024x1024xbf16>, vector<512x1024xf32> -> vector<512x1024xf32>
    %add3A_78 = arith.addf %add3A_64, %dot_general3A_77 : vector<512x1024xf32>
    %get3A_79 = arith.constant 4 : index
    %get3A_80 = arith.constant 0 : index
    %get3A_81 = arith.constant 0 : index
    %get3A_82 = vector.load %arg2[%get3A_79, %get3A_80, %get3A_81] : memref<8x512x1024xf32, #tpu.memory_space<vmem>>, vector<1x512x1024xf32>
    %get3A_83 = vector.shape_cast %get3A_82 : vector<1x512x1024xf32> to vector<512x1024xf32>
    %convert_element_type3A_84 = arith.truncf %get3A_83 : vector<512x1024xf32> to vector<512x1024xbf16>
    %get3A_85 = arith.constant 4 : index
    %get3A_86 = arith.constant 0 : index
    %get3A_87 = arith.constant 0 : index
    %get3A_88 = vector.load %arg3[%get3A_85, %get3A_86, %get3A_87] : memref<8x1024x1024xbf16, #tpu.memory_space<vmem>>, vector<1x1024x1024xbf16>
    %get3A_89 = vector.shape_cast %get3A_88 : vector<1x1024x1024xbf16> to vector<1024x1024xbf16>
    %dot_general3A_90 = arith.constant dense<0.000000e+00> : vector<512x1024xf32>
    %dot_general3A_91 = tpu.matmul %convert_element_type3A_84, %get3A_89, %dot_general3A_90 {dimension_numbers = #tpu.dot_dimension_numbers<[1], [0], [0], [1], [0, 0, 1, 1], [], []>, transpose_lhs_hint = false} : vector<512x1024xbf16>, vector<1024x1024xbf16>, vector<512x1024xf32> -> vector<512x1024xf32>
    %add3A_92 = arith.addf %add3A_78, %dot_general3A_91 : vector<512x1024xf32>
    %get3A_93 = arith.constant 5 : index
    %get3A_94 = arith.constant 0 : index
    %get3A_95 = arith.constant 0 : index
    %get3A_96 = vector.load %arg2[%get3A_93, %get3A_94, %get3A_95] : memref<8x512x1024xf32, #tpu.memory_space<vmem>>, vector<1x512x1024xf32>
    %get3A_97 = vector.shape_cast %get3A_96 : vector<1x512x1024xf32> to vector<512x1024xf32>
    %convert_element_type3A_98 = arith.truncf %get3A_97 : vector<512x1024xf32> to vector<512x1024xbf16>
    %get3A_99 = arith.constant 5 : index
    %get3A_100 = arith.constant 0 : index
    %get3A_101 = arith.constant 0 : index
    %get3A_102 = vector.load %arg3[%get3A_99, %get3A_100, %get3A_101] : memref<8x1024x1024xbf16, #tpu.memory_space<vmem>>, vector<1x1024x1024xbf16>
    %get3A_103 = vector.shape_cast %get3A_102 : vector<1x1024x1024xbf16> to vector<1024x1024xbf16>
    %dot_general3A_104 = arith.constant dense<0.000000e+00> : vector<512x1024xf32>
    %dot_general3A_105 = tpu.matmul %convert_element_type3A_98, %get3A_103, %dot_general3A_104 {dimension_numbers = #tpu.dot_dimension_numbers<[1], [0], [0], [1], [0, 0, 1, 1], [], []>, transpose_lhs_hint = false} : vector<512x1024xbf16>, vector<1024x1024xbf16>, vector<512x1024xf32> -> vector<512x1024xf32>
    %add3A_106 = arith.addf %add3A_92, %dot_general3A_105 : vector<512x1024xf32>
    %get3A_107 = arith.constant 6 : index
    %get3A_108 = arith.constant 0 : index
    %get3A_109 = arith.constant 0 : index
    %get3A_110 = vector.load %arg2[%get3A_107, %get3A_108, %get3A_109] : memref<8x512x1024xf32, #tpu.memory_space<vmem>>, vector<1x512x1024xf32>
    %get3A_111 = vector.shape_cast %get3A_110 : vector<1x512x1024xf32> to vector<512x1024xf32>
    %convert_element_type3A_112 = arith.truncf %get3A_111 : vector<512x1024xf32> to vector<512x1024xbf16>
    %get3A_113 = arith.constant 6 : index
    %get3A_114 = arith.constant 0 : index
    %get3A_115 = arith.constant 0 : index
    %get3A_116 = vector.load %arg3[%get3A_113, %get3A_114, %get3A_115] : memref<8x1024x1024xbf16, #tpu.memory_space<vmem>>, vector<1x1024x1024xbf16>
    %get3A_117 = vector.shape_cast %get3A_116 : vector<1x1024x1024xbf16> to vector<1024x1024xbf16>
    %dot_general3A_118 = arith.constant dense<0.000000e+00> : vector<512x1024xf32>
    %dot_general3A_119 = tpu.matmul %convert_element_type3A_112, %get3A_117, %dot_general3A_118 {dimension_numbers = #tpu.dot_dimension_numbers<[1], [0], [0], [1], [0, 0, 1, 1], [], []>, transpose_lhs_hint = false} : vector<512x1024xbf16>, vector<1024x1024xbf16>, vector<512x1024xf32> -> vector<512x1024xf32>
    %add3A_120 = arith.addf %add3A_106, %dot_general3A_119 : vector<512x1024xf32>
    %get3A_121 = arith.constant 7 : index
    %get3A_122 = arith.constant 0 : index
    %get3A_123 = arith.constant 0 : index
    %get3A_124 = vector.load %arg2[%get3A_121, %get3A_122, %get3A_123] : memref<8x512x1024xf32, #tpu.memory_space<vmem>>, vector<1x512x1024xf32>
    %get3A_125 = vector.shape_cast %get3A_124 : vector<1x512x1024xf32> to vector<512x1024xf32>
    %convert_element_type3A_126 = arith.truncf %get3A_125 : vector<512x1024xf32> to vector<512x1024xbf16>
    %get3A_127 = arith.constant 7 : index
    %get3A_128 = arith.constant 0 : index
    %get3A_129 = arith.constant 0 : index
    %get3A_130 = vector.load %arg3[%get3A_127, %get3A_128, %get3A_129] : memref<8x1024x1024xbf16, #tpu.memory_space<vmem>>, vector<1x1024x1024xbf16>
    %get3A_131 = vector.shape_cast %get3A_130 : vector<1x1024x1024xbf16> to vector<1024x1024xbf16>
    %dot_general3A_132 = arith.constant dense<0.000000e+00> : vector<512x1024xf32>
    %dot_general3A_133 = tpu.matmul %convert_element_type3A_126, %get3A_131, %dot_general3A_132 {dimension_numbers = #tpu.dot_dimension_numbers<[1], [0], [0], [1], [0, 0, 1, 1], [], []>, transpose_lhs_hint = false} : vector<512x1024xbf16>, vector<1024x1024xbf16>, vector<512x1024xf32> -> vector<512x1024xf32>
    %add3A_134 = arith.addf %add3A_120, %dot_general3A_133 : vector<512x1024xf32>
    %mul3A = arith.mulf %add3A_134, %add3A_134 : vector<512x1024xf32>
    %reduce_sum3A = arith.constant dense<0.000000e+00> : vector<512xf32>
    %reduce_sum3A_135 = vector.multi_reduction <add>, %mul3A, %reduce_sum3A [1] : vector<512x1024xf32> to vector<512xf32>
    %broadcast_in_dim3A = vector.shape_cast %reduce_sum3A_135 : vector<512xf32> to vector<512x1xf32>
    %div3A = arith.constant 1.024000e+03 : f32
    %div3A_136 = vector.broadcast %div3A : f32 to vector<512x1xf32>
    %div3A_137 = arith.divf %broadcast_in_dim3A, %div3A_136 : vector<512x1xf32>
    %add3A_138 = arith.constant 9.99999997E-7 : f32
    %add3A_139 = vector.broadcast %add3A_138 : f32 to vector<512x1xf32>
    %add3A_140 = arith.addf %div3A_137, %add3A_139 : vector<512x1xf32>
    %rsqrt3A = math.rsqrt %add3A_140 : vector<512x1xf32>
    %mul3A_141 = vector.broadcast %rsqrt3A : vector<512x1xf32> to vector<512x1024xf32>
    %mul3A_142 = arith.mulf %add3A_134, %mul3A_141 : vector<512x1024xf32>
    %get3A_143 = arith.constant 0 : index
    %get3A_144 = arith.constant 0 : index
    %get3A_145 = vector.load %arg8[%get3A_143, %get3A_144] : memref<1x1024xf32, #tpu.memory_space<vmem>>, vector<1x1024xf32>
    %mul3A_146 = vector.broadcast %get3A_145 : vector<1x1024xf32> to vector<512x1024xf32>
    %mul3A_147 = arith.mulf %mul3A_142, %mul3A_146 : vector<512x1024xf32>
    %swap3A_148 = arith.constant 0 : index
    %swap3A_149 = arith.constant 0 : index
    %swap3A_150 = vector.load %arg9[%swap3A_148, %swap3A_149] : memref<512x1024xf32, #tpu.memory_space<vmem>>, vector<512x1024xf32>
    tpu.vector_store %arg9[%swap3A_148, %swap3A_149], %mul3A_147 {strides = array<i32>} : memref<512x1024xf32, #tpu.memory_space<vmem>>, vector<512x1024xf32>,
    return
  }
  func.func @transform_0(%arg0: i32) -> (i32, i32) {
    %c0_i32 = arith.constant 0 : i32
    %c0_i32_0 = arith.constant 0 : i32
    return %arg0, %c0_i32 : i32, i32
  }
  func.func @transform_1(%arg0: i32) -> (i32, i32, i32) {
    %c0_i32 = arith.constant 0 : i32
    %c0_i32_0 = arith.constant 0 : i32
    %c0_i32_1 = arith.constant 0 : i32
    return %c0_i32, %arg0, %c0_i32_0 : i32, i32, i32
  }
  func.func @transform_2(%arg0: i32) -> (i32, i32, i32) {
    %c0_i32 = arith.constant 0 : i32
    %c0_i32_0 = arith.constant 0 : i32
    %c0_i32_1 = arith.constant 0 : i32
    %c0_i32_2 = arith.constant 0 : i32
    return %c0_i32, %c0_i32_0, %c0_i32_1 : i32, i32, i32
  }
  func.func @transform_3(%arg0: i32) -> (i32, i32) {
    %c0_i32 = arith.constant 0 : i32
    %c0_i32_0 = arith.constant 0 : i32
    %c0_i32_1 = arith.constant 0 : i32
    return %c0_i32, %c0_i32_0 : i32, i32
  }
  func.func @transform_4(%arg0: i32) -> (i32, i32) {
    %c0_i32 = arith.constant 0 : i32
    %c0_i32_0 = arith.constant 0 : i32
    %c0_i32_1 = arith.constant 0 : i32
    return %c0_i32, %c0_i32_0 : i32, i32
  }
  func.func @transform_5(%arg0: i32) -> (i32, i32) {
    %c0_i32 = arith.constant 0 : i32
    %c0_i32_0 = arith.constant 0 : i32
    %c0_i32_1 = arith.constant 0 : i32
    return %c0_i32, %c0_i32_0 : i32, i32
  }
  func.func @transform_6(%arg0: i32) -> (i32, i32) {
    %c0_i32 = arith.constant 0 : i32
    %c0_i32_0 = arith.constant 0 : i32
    %c0_i32_1 = arith.constant 0 : i32
    return %c0_i32, %c0_i32_0 : i32, i32
  }
  func.func @transform_7(%arg0: i32) -> (i32, i32) {
    %c0_i32 = arith.constant 0 : i32
    %c0_i32_0 = arith.constant 0 : i32
    %c0_i32_1 = arith.constant 0 : i32
    return %c0_i32, %c0_i32_0 : i32, i32
  }
  func.func @transform_8(%arg0: i32) -> (i32, i32) {
    %c0_i32 = arith.constant 0 : i32
    %c0_i32_0 = arith.constant 0 : i32
    return %arg0, %c0_i32 : i32, i32
  }
  func.func @transform_9(%arg0: i32) -> (i32, i32) {
    %c0_i32 = arith.constant 0 : i32
    %c0_i32_0 = arith.constant 0 : i32
    return %arg0, %c0_i32 : i32, i32
  }
}

</mosaic_0001>

<sc_bundles>
// kernel: kernel.4.cloned.1.call-start
scs
__scs_entry_jumppad:
0x0: {  	(pc) =	sbr.rel $0x88, $3  }
0x1: {  	(tag) =	ssettag $0x0;
	lr =	simm.s32 $0x1  }
0x2: {  	[smem:$0x3F99] =	sst lr;
	_ =	strace $0xD0000000  }
0x3: {  	_ = 	snop  }
0x4: {  	_ = 	snop  }
0x5: {  	_ = 	snop  }
0x6: {  	_ = 	snop  }
0x7: {  	_ = 	snop  }
__scs_overlays_trampoline_lowered:
0x8: {  	[smem:$0x3FA8] =	sst s0  }
0x9: {  	[smem:$0x3FA9] =	sst s1  }
0xa: {  	[smem:$0x3FAA] =	sst s2  }
0xb: {  	[smem:$0x3FAB] =	sst s3  }
0xc: {  	[smem:$0x3FAC] =	sst s4  }
0xd: {  	[smem:$0x3FAD] =	sst s5  }
0xe: {  	[smem:$0x3FAE] =	sst s6  }
0xf: {  	[smem:$0x3FAF] =	sst s7  }
0x10: {  	[smem:$0x3FB0] =	sst s8  }
0x11: {  	[smem:$0x3FB1] =	sst s9;
	s0 =	simm.s32 @!p0 $0x0  }
0x12: {  	s1 =	sld [smem:$0x3F97];
	s0 =	simm.s32 @p0 $0x1  }
0x13: {  	[smem:$0x3FB2] =	sst s0;
	s0 =	simm.s32 @!p1 $0x0  }
0x14: {  	s2 =	sld [smem:$0x3F96];
	s0 =	simm.s32 @p1 $0x1  }
0x15: {  	[smem:$0x3FB3] =	sst s0;
	s0 =	simm.s32 @!p2 $0x0  }
0x16: {  	s3 =	sld [smem:$0x3FDB];
	s0 =	simm.s32 @p2 $0x1  }
0x17: {  	s4 =	simm.s32 $0x1BF5;
	[smem:$0x3FB5] =	sst s0  }
0x18: {  	s0 =	sld [smem:$0x3F98];
	_ =	swait.ge [sflag:s4], $0x0  }
0x19: {  	s7 =	sld [smem:$0x3F99]  }
0x1a: {  	s8 =	sadd.s32 $0xFFFFE003, lr  }
0x1b: {  	s9 =	sadd.s32 $0xFFFFFEF7, lr;
	s5 =	simm.s32 $0xFFFFFFFF;
	p2 =	slt.u32 s8, $0xFFFFF086  }
0x1c: {  	p1 =	slt.u32 s9, $0xF7A;
	s5 =	simm.s32 @!p2 $0x0  }
0x1d: {  	s5 =	simm.s32 @p1 $0x1;
	p0 =	seq.s32 s7, s2  }
0x1e: {  	s7 =	smul.u32 @!p0 $0xF7A, s2;
	p2 =	seq.s32 @!p0 s5, $0x0  }
0x1f: {  	s9 =	smul.u32 $0xF7A, s1;
	s8 =	simm.s32 @!p0 $0x1BF5;
	p2 =	por !p2, p0  }
0x20: {  	[sflag:s8] =	ssyncset.s32 @!p0 $0xFFFFF086;
	s6 =	sadd.s32 @!p0 s3, s7;
	s7 =	simm.s32 @!p0 $0x108  }
0x21: {  	s3 =	sadd.s32 s3, s9;
	s6 =	sadd.s32 @!p0 $0x88, s6;
	s7 =	simm.s32 @p2 $0x1082  }
0x22: {  	[simem:s7], [sflag:s8] =	dma.local @!p0 [hbm:s6], $0xF7A  }
0x23: {  	s9 =	sor.u32 $0xD0000000, s2;
	s6 =	simm.s32 $0x108;
	_ =	swait.ge @!p0 [sflag:s8], $0x0  }
0x24: {  	s3 =	sadd.s32 $0x88, s3;
	s6 =	simm.s32 @!p1 $0x1082;
	[sflag:s4] =	ssyncset.s32 $0xFFFFF086  }
0x25: {  	[simem:s6], [sflag:s4] =	dma.local [hbm:s3], $0xF7A  }
0x26: {  	[smem:$0x3F99] =	sst s1;
	(tag) =	ssettag s2;
	_ =	strace s9  }
0x27: {  	s1 =	sld [smem:$0x3FA9]  }
0x28: {  	s2 =	sld [smem:$0x3FAA]  }
0x29: {  	s4 =	sld [smem:$0x3FAC]  }
0x2a: {  	p0 =	seq.s32 s5, $0x0;
	s5 =	sld [smem:$0x3FAD]  }
0x2b: {  	s6 =	sld [smem:$0x3FAE]  }
0x2c: {  	s7 =	sld [smem:$0x3FAF]  }
0x2d: {  	s3 =	simm.s32 $0x108;
	s8 =	sld [smem:$0x3FB0]  }
0x2e: {  	s3 =	simm.s32 @!p0 $0x1082;
	s9 =	sld [smem:$0x3FB1]  }
0x2f: {  	lr =	sadd.s32 s0, s3;
	s0 =	sld [smem:$0x3FA8]  }
0x30: {  	s3 =	sld [smem:$0x3FAB]  }
0x31: {  	[smem:$0x3FB4] =	sst s10  }
0x32: {  	s10 =	sld [smem:$0x3FB2];
	_ =	sdelay $0x3  }
0x33: {  	p0 =	seq.s32 s10, $0x1;
	s10 =	sld [smem:$0x3FB4];
	_ =	sdelay $0x3  }
0x34: {  	[smem:$0x3FB4] =	sst s10  }
0x35: {  	s10 =	sld [smem:$0x3FB3];
	_ =	sdelay $0x3  }
0x36: {  	p1 =	seq.s32 s10, $0x1;
	s10 =	sld [smem:$0x3FB4];
	_ =	sdelay $0x3  }
0x37: {  	[smem:$0x3FB4] =	sst s10  }
0x38: {  	s10 =	sld [smem:$0x3FB5]  }
0x39: {  	_ = 	snop;
	(pc) =	sbr.ind lr, $3  }
0x3a: {  	_ = 	snop  }
0x3b: {  	_ = 	snop  }
0x3c: {  	p2 =	seq.s32 s10, $0x1;
	s10 =	sld [smem:$0x3FB4]  }
0x3d: {  	_ =	shalt  }
0x3e: {  	_ =	shalt  }
0x3f: {  	_ =	shalt  }
0x40: {  	_ =	shalt  }
0x41: {  	_ =	shalt  }
0x42: {  	_ =	shalt  }
0x43: {  	_ =	shalt  }
0x44: {  	_ =	shalt  }
0x45: {  	_ =	shalt  }
0x46: {  	_ =	shalt  }
0x47: {  	_ =	shalt  }
0x48: {  	_ =	shalt  }
0x49: {  	_ =	shalt  }
0x4a: {  	_ =	shalt  }
0x4b: {  	_ =	shalt  }
0x4c: {  	_ =	shalt  }
0x4d: {  	_ =	shalt  }
0x4e: {  	_ =	shalt  }
0x4f: {  	_ =	shalt  }
0x50: {  	_ =	shalt  }
0x51: {  	_ =	shalt  }
0x52: {  	_ =	shalt  }
0x53: {  	_ =	shalt  }
0x54: {  	_ =	shalt  }
0x55: {  	_ =	shalt  }
0x56: {  	_ =	shalt  }
0x57: {  	_ =	shalt  }
0x58: {  	_ =	shalt  }
0x59: {  	_ =	shalt  }
0x5a: {  	_ =	shalt  }
0x5b: {  	_ =	shalt  }
0x5c: {  	_ =	shalt  }
0x5d: {  	_ =	shalt  }
0x5e: {  	_ =	shalt  }
0x5f: {  	_ =	shalt  }
0x60: {  	_ =	shalt  }
0x61: {  	_ =	shalt  }
0x62: {  	_ =	shalt  }
0x63: {  	_ =	shalt  }
0x64: {  	_ =	shalt  }
0x65: {  	_ =	shalt  }
0x66: {  	_ =	shalt  }
0x67: {  	_ =	shalt  }
0x68: {  	_ =	shalt  }
0x69: {  	_ =	shalt  }
0x6a: {  	_ =	shalt  }
0x6b: {  	_ =	shalt  }
0x6c: {  	_ =	shalt  }
0x6d: {  	_ =	shalt  }
0x6e: {  	_ =	shalt  }
0x6f: {  	_ =	shalt  }
0x70: {  	_ =	shalt  }
0x71: {  	_ =	shalt  }
0x72: {  	_ =	shalt  }
0x73: {  	_ =	shalt  }
0x74: {  	_ =	shalt  }
0x75: {  	_ =	shalt  }
0x76: {  	_ =	shalt  }
0x77: {  	_ =	shalt  }
0x78: {  	_ =	shalt  }
0x79: {  	_ =	shalt  }
0x7a: {  	_ =	shalt  }
0x7b: {  	_ =	shalt  }
0x7c: {  	_ =	shalt  }
0x7d: {  	_ =	shalt  }
0x7e: {  	_ =	shalt  }
0x7f: {  	_ =	shalt  }
0x80: {  	_ =	shalt  }
0x81: {  	_ =	shalt  }
0x82: {  	_ =	shalt  }
0x83: {  	_ =	shalt  }
0x84: {  	_ =	shalt  }
0x85: {  	_ =	shalt  }
0x86: {  	_ =	shalt  }
0x87: {  	_ =	shalt  }
.Lfunc_end0:
.L_simem_size_0:
called_computation_lowered:
.L_overlay_start_0:
0x88: {  	s2 =	sld [smem:$0x3FD9]  }
0x89: {  	s3 =	sld [smem:$0x3FFE];
	_ =	sdelay $0x1  }
0x8a: {  	s1 =	srdreg.scid  }
0x8b: {  	s0 =	sand.u32 $0x1, s1  }
0x8c: {  	s14 =	sshll.u32 s0, $0xA;
	s2 =	sadd.s32 s3, s2  }
0x8d: {  	s2 =	sadd.s32 s2, s14  }
0x8e: {  	[smem:$0x3FC0] =	sst s2  }
0x8f: {  	_ = 	snop  }
0x90: {  	s2 =	sld [smem:$0x3FD0];
	_ =	sdelay $0x2  }
0x91: {  	s15 =	simm.s32 $0xA;
	s4 =	simm.s32 $0x10  }
0x92: {  	[smem:s4], [sflag:s15] =	dma.local [hbm:s2], $0x1  }
0x93: {  	_ =	swait.eq [sflag:s15], $0x1  }
0x94: {  	[sflag:s15] =	ssyncset.done $0x0  }
0x95: {  	[sflag:s15] =	ssyncadd.s32 $0xFFFFFFFF  }
0x96: {  	s16 =	sld [smem:$0x12];
	(tm) =	ssettm $0x1  }
0x97: {  	s17 =	sld [smem:$0x3FFB];
	_ =	sdelay $0x3  }
0x98: {  	_ =	strace s17  }
0x99: {  	s3 =	sld [smem:$0x3FFC];
	_ =	sdelay $0x3  }
0x9a: {  	_ =	strace s3  }
0x9b: {  	s3 =	sld [smem:$0x3FFD];
	_ =	sdelay $0x3  }
0x9c: {  	_ =	strace s3  }
0x9d: {  	_ =	strace $0x8FFFFFFF  }
0x9e: {  	s18 =	sld [smem:$0x3FDB];
	_ =	sdelay $0x1  }
0x9f: {  	s19 =	simm.s32 $_scs_section_size  }
0xa0: {  	s5 =	simm.s32 $_size__tile_overlayer_lowered;
	s6 =	simm.s32 $_tile_overlayer_lowered  }
0xa1: {  	s22 =	simm.s32 $0x1BFF;
	s21 =	sshll.u32 s6, $0x1;
	s3 =	sadd.s32 s19, s18  }
0xa2: {  	s7 =	simm.s32 $0x0;
	s20 =	sshll.u32 s5, $0x1;
	s5 =	sadd.s32 s21, s3  }
0xa3: {  	[timem:s7], [sflag:s22] =	dma.local [hbm:s5], s20  }
0xa4: {  	_ =	swait.ge [sflag:s22], s20  }
0xa5: {  	s4 =	ssub.s32 $0x0, s20;
	[sflag:s22] =	ssyncset.done $0x0  }
0xa6: {  	[sflag:s22] =	ssyncadd.s32 s4;
	_ =	sdelay $0x1  }
0xa7: {  	s23 =	simm.s32 $0x1B8B  }
0xa8: {  	_ =	swait.ge [sflag:s23], $0x1  }
0xa9: {  	[sflag:s23] =	ssyncset.done $0x0  }
0xaa: {  	s25 =	simm.s32 $0x1B8E;
	s24 =	sld [smem:$0x3FFE];
	[sflag:s23] =	ssyncadd.s32 $0xFFFFFFFF  }
0xab: {  	s26 =	simm.s32 $execute0_lowered;
	[smem:$0x3FD2] =	sst s25  }
0xac: {  	s5 =	sshll.u32 s26, $0x1;
	_ =	strace $0x80000046;
	[dreg:$0x1] =	wrdreg $0xFFFFFFFF  }
0xad: {  	s28 =	simm.s32 $_size_execute0_lowered;
	s3 =	sadd.s32 s3, s5;
	[dreg:$0x0] =	wrdreg $0x0  }
0xae: {  	s5 =	sshll.u32 s28, $0x1;
	[dreg:$0x2] =	wrdreg s3  }
0xaf: {  	[dreg:$0x3] =	wrdreg s5  }
0xb0: {  	[dreg:$0x4] =	wrdreg $0xC0  }
0xb1: {  	_ =	task [dreg:s7], $0x5FFFF  }
0xb2: {  	[dreg:$0x1] =	wrdreg $0xFFFFFFFF  }
0xb3: {  	[dreg:$0x0] =	wrdreg $0x60  }
0xb4: {  	[dreg:$0x2] =	wrdreg s24  }
0xb5: {  	[dreg:$0x3] =	wrdreg s16  }
0xb6: {  	[dreg:$0x4] =	wrdreg $0x9  }
0xb7: {  	_ =	task.clear_ibuf [dreg:s7], $0x5FFFF;
	_ =	strace $0x90000046  }
0xb8: {  	s29 =	simm.s32 $0x9;
	_ =	strace $0x80000048  }
0xb9: {  	_ =	swait.ge [sflag:s29], $0x1  }
0xba: {  	[sflag:s29] =	ssyncadd.s32 $0xFFFFFFFF  }
0xbb: {  	_ =	strace $0x90000048  }
0xbc: {  	_ =	sfence  }
0xbd: {  	s30 =	sld [smem:$0x0];
	_ =	sdelay $0x2  }
0xbe: {  	s31 =	sshll.u32 s1, $0xD;
	s1 =	sshrl.u32 s1, $0x2  }
0xbf: {  	s3 =	sand.u32 $0x4000, s31;
	s1 =	sadd.s32 s1, s30  }
0xc0: {  	s0 =	sor.u32 s3, s0;
	s1 =	sshll.u32 s1, $0x11  }
0xc1: {  	s0 =	sor.u32 s1, s0  }
0xc2: {  	s0 =	sadd.s32 $0x8F2B, s0  }
0xc3: {  	[sflag:s0] =	ssyncadd.remote.s32 $0x1  }
0xc4: {  	_ =	sfence.sel $0xFFFF  }
0xc5: {  	[dreg:$0x0] =	wrdreg $0xFFFFFFFF;
	(pc) =	sbr.abs _section_cstart, $3  }
0xc6: {  	[dreg:$0x1] =	wrdreg $0xFFFFFFFF  }
0xc7: {  	_ =	task.clear_ibuf [dreg:s7], $0x2FFFF;
	_ =	strace $0x9FFFFFFF  }
0xc8: {  	(tm) =	ssettm $0x7FFFFFFF  }
0xc9: {  	_ =	shalt  }
tec
execute0_lowered:
.L_overlay_start_1:
0x0: {  	(tag) =	ssettag $0x1  }
0x1: {  	s2 =	rddreg [dreg:$0x0]  }
0x2: {  	s1 =	rddreg [dreg:$0x1]  }
0x3: {  	s0 =	rddreg [dreg:$0x2];
	_ =	strace $0x80000047  }
0x4: {  	s3 =	simm.s32 $0x0;
	s4 =	simm.s32 $0x1;
	s2 =	sadd.s32 $0x200, s2  }
0x5: {  	[tilespmem:s3], [sflag:$0x1] =	stream.linear.gather [hbm4b:s2+s3], $0x80, $0x38;
	[tilespmem:$0x100] =	vst v63  }
0x6: {  	_ =	swait.ge [sflag:s4], $0x80  }
0x7: {  	[sflag:s4] =	ssyncset.done $0x0  }
0x8: {  	[sflag:s4] =	ssyncadd.s32 $0xFFFFFF80  }
0x9: {  	v1 =	vld [tilespmem:$0x0];
	_ =	sdelay $0x3  }
0xa: {  	v0 =	vlaneseq.u32  }
0xb: {  	(xrf1) =	vsort.dscd.msk.f32 $0xffff, v1, v0;
	_ =	sdelay $0x5  }
0xc: {  	s5 =	srdreg.scid  }
0xd: {  	s6 =	sand.u32 $0x1, s5  }
0xe: {  	s7 =	ssub.s32 $0x2, s6  }
0xf: {  	s8 =	sshrl.u32 s7, $0x1  }
0x10: {  	s5 =	stileid.u32;
	s7 =	ssub.s32 s7, s8  }
0x11: {  	s6 =	sor.u32 s5, s6;
	s7 =	smax.u32 s7, $0x1  }
0x12: {  	p0 =	sne.s32 s6, $0x0;
	s6 =	sadd.s32 $0xFFFFFFFF, s7  }
0x13: {  	p1 =	sne.s32 s6, $0x0  }
.Ltmp0:
0x14: {  	_, v1, _ =	vpop (xrf1);
	(pc) =	sbr.rel @!p1 .LBB2_2-.Ltmp0, $4  }
0x15: {  	s8 =	simm.s32 @!p0 $0x0;
	s9 =	simm.s32 @!p0 $0x80;
	s7 =	simm.s32 @!p0 $0x1;
	[tilespmem:$0x80] =	vst v1  }
0x16: {  	[hbm4b:s1+s8] =	stream.linear.scatter @!p0 [tilespmem:s9], [sflag:$0x1], $0x80, $0x38;
	[tilespmem:$0x100] =	vst v63  }
0x17: {  	_ =	swait.ge @!p0 [sflag:s7], $0x80  }
0x18: {  	[sflag:s7] =	ssyncset.done @!p0 $0x0  }
.LBB2_1:
0x19: {  	s6 =	sadd.s32 $0xFFFFFFFF, s6;
	[sflag:s7] =	ssyncadd.s32 @!p0 $0xFFFFFF80  }
0x1a: {  	[tilespmem:s3], [sflag:$0x1] =	stream.linear.gather [hbm4b:s2+s3], $0x80, $0x38;
	[tilespmem:$0x100] =	vst v63  }
0x1b: {  	p1 =	sne.s32 s6, $0x0;
	_ =	swait.ge [sflag:s4], $0x80  }
0x1c: {  	[sflag:s4] =	ssyncset.done $0x0  }
0x1d: {  	[sflag:s4] =	ssyncadd.s32 $0xFFFFFF80  }
0x1e: {  	v1 =	vld [tilespmem:$0x0];
	_ =	sdelay $0x4  }
0x1f: {  	(xrf1) =	vsort.dscd.msk.f32 $0xffff, v1, v0;
	_ =	sdelay $0xd  }
.Ltmp1:
0x20: {  	_, v1, _ =	vpop (xrf1);
	(pc) =	sbr.rel @p1 .LBB2_1-.Ltmp1, $4  }
0x21: {  	[tilespmem:$0x80] =	vst v1  }
0x22: {  	[hbm4b:s1+s8] =	stream.linear.scatter @!p0 [tilespmem:s9], [sflag:$0x1], $0x80, $0x38;
	[tilespmem:$0x100] =	vst v63  }
0x23: {  	_ =	swait.ge @!p0 [sflag:s7], $0x80  }
0x24: {  	[sflag:s7] =	ssyncset.done @!p0 $0x0  }
.LBB2_2:
0x25: {  	[sflag:s7] =	ssyncadd.s32 @!p0 $0xFFFFFF80  }
0x26: {  	_ =	sfence.sel $0x180000  }
0x27: {  	[bflag:$0x0] =	sbarrier.arrive $0xFFFF  }
0x28: {  	p0 =	sne.s32 s5, $0x0;
	_ =	strace $0x90000047  }
0x29: {  	s0 =	sadd.s32 @!p0 $0x100000, s0;
	[bflag:$0x2] =	sbarrier.arrive $0xFFFF  }
0x2a: {  	[sflag:s0] =	ssyncadd.tile.s32 @!p0 $0x1;
	_ =	shalt  }
.Lfunc_end2:
_tile_overlayer_lowered:
.L_overlay_start_2:
0x2b: {  	(tag) =	ssettag $0x2  }
0x2c: {  	s0 =	rddreg [dreg:$0x0];
	s2 =	stileid.u32  }
0x2d: {  	s1 =	rddreg [dreg:$0x1];
	p0 =	sne.s32 s2, $0x0  }
0x2e: {  	s3 =	rddreg [dreg:$0x2];
	[bflag:$0x3] =	sbarrier.arrive $0xFFFF;
	s2 =	simm.s32 @!p0 $0x1C01  }
0x2f: {  	[timem:s3], [sflag:s2] =	dma.local @!p0 [hbm:s0], s1  }
0x30: {  	s0 =	simm.s32 @!p0 $0x1  }
0x31: {  	_ =	swait.ge @!p0 [sflag:s0], s1  }
0x32: {  	s1 =	ssub.s32 @!p0 $0x0, s1;
	[sflag:s0] =	ssyncset.done @!p0 $0x0  }
0x33: {  	[sflag:s0] =	ssyncadd.s32 @!p0 s1  }
0x34: {  	[bflag:$0x3] =	sbarrier.arrive $0xFFFF  }
0x35: {  	_ =	shalt  }

</sc_bundles>
